<compile_context>
chip_gen: v7x
topology: tpu7x:2x2x1
jax: 0.10.2.dev20260603
libtpu: 0.0.44.dev20260713+nightly
codegen_flags: <defaults>
</compile_context>

<pallas_src>
import jax
import jax.numpy as jnp
from jax import lax
from jax.experimental import pallas as pl
from jax.experimental.pallas import tpu as pltpu
from jax.experimental.pallas import tpu_sc as plsc

NC = 2
NS = 16
CH = 128
DH = 64


def _sc_segment_sum(fs_a, fs_b, src_t, dst_t, zrow, zhist, acc_rows, k_chunks):
    share = acc_rows // NS

    def body(fsa_hbm, fsb_hbm, src_hbm, dst_hbm, zrow_hbm, zhist_hbm,
             sums_hbm, degs_hbm,
             src_v, dst_v, rows_a, hist_v, gsem_a, acc):
        c = lax.axis_index("c")
        s = lax.axis_index("s")
        ones16 = jnp.ones((16,), jnp.float32)
        base = s * share

        cp1 = pltpu.async_copy(src_hbm.at[s], src_v, gsem_a)
        cp2 = pltpu.async_copy(dst_hbm.at[s], dst_v, gsem_a)
        cp3 = pltpu.async_copy(zhist_hbm, hist_v, gsem_a)
        pltpu.sync_copy(zrow_hbm, acc.at[pl.ds(base, share)])
        cp3.wait()
        cp2.wait()
        cp1.wait()
        plsc.subcore_barrier()

        def accumulate(feat_hbm, with_hist):
            def chunk(j, carry):
                cp = pltpu.async_copy(feat_hbm.at[src_v.at[j]], rows_a, gsem_a)
                if with_hist:
                    for l in range(CH // 16):
                        idx = dst_v[j, pl.ds(l * 16, 16)]
                        plsc.addupdate_scatter(hist_v, [idx], ones16)
                cp.wait()
                pltpu.sync_copy(rows_a, acc.at[dst_v.at[j]], add=True)
                return carry

            lax.fori_loop(0, k_chunks, chunk, 0)

        @pl.when(c == 0)
        def _():
            accumulate(fsa_hbm, with_hist=True)
            pltpu.sync_copy(hist_v, degs_hbm.at[s])

        @pl.when(c == 1)
        def _():
            accumulate(fsb_hbm, with_hist=False)

        plsc.subcore_barrier()
        pltpu.sync_copy(acc.at[pl.ds(base, share)],
                        sums_hbm.at[c, pl.ds(base, share)])

    mesh = plsc.VectorSubcoreMesh(core_axis_name="c", subcore_axis_name="s",
                                  num_cores=NC, num_subcores=NS)
    fn = pl.kernel(
        body,
        out_type=(jax.ShapeDtypeStruct((NC, acc_rows, DH), jnp.float32),
                  jax.ShapeDtypeStruct((NS, acc_rows), jnp.float32)),
        mesh=mesh,
        compiler_params=pltpu.CompilerParams(use_tc_tiling_on_sc=False,
                                             needs_layout_passes=False),
        scratch_types=[
            pltpu.VMEM((k_chunks, CH), jnp.int32),
            pltpu.VMEM((k_chunks, CH), jnp.int32),
            pltpu.VMEM((CH, DH), jnp.float32),
            pltpu.VMEM((acc_rows,), jnp.float32),
            pltpu.SemaphoreType.DMA,
            pltpu.VMEM_SHARED((acc_rows, DH), jnp.float32),
        ],
    )
    return fn(fs_a, fs_b, src_t, dst_t, zrow, zhist)


def _tc_combine(sums, degs, fd, wst, wnt_a, wnt_b, bs, bn, rows, blk):
    d = fd.shape[1]
    ones16 = jnp.ones((NS, 1), jnp.float32)

    def body(p_ref, d_ref, o16_ref, fd_ref, wst_ref, wa_ref, wb_ref, bs_ref,
             bn_ref, o_ref):
        sa = p_ref[0]
        sb = p_ref[1]
        deg = jnp.dot(d_ref[...], o16_ref[...],
                      preferred_element_type=jnp.float32)
        inv = 1.0 / jnp.maximum(deg, 1.0)
        o_ref[...] = (
            jnp.dot(fd_ref[...], wst_ref[...], preferred_element_type=jnp.float32)
            + jnp.dot(sa * inv, wa_ref[...], preferred_element_type=jnp.float32)
            + jnp.dot(sb * inv, wb_ref[...], preferred_element_type=jnp.float32)
            + bs_ref[...] + bn_ref[...]
        )

    return pl.pallas_call(
        body,
        grid=(rows // blk,),
        in_specs=[
            pl.BlockSpec((2, blk, DH), lambda i: (0, i, 0)),
            pl.BlockSpec((blk, NS), lambda i: (i, 0)),
            pl.BlockSpec((NS, 1), lambda i: (0, 0)),
            pl.BlockSpec((blk, d), lambda i: (i, 0)),
            pl.BlockSpec((d, d), lambda i: (0, 0)),
            pl.BlockSpec((DH, d), lambda i: (0, 0)),
            pl.BlockSpec((DH, d), lambda i: (0, 0)),
            pl.BlockSpec((1, d), lambda i: (0, 0)),
            pl.BlockSpec((1, d), lambda i: (0, 0)),
        ],
        out_specs=pl.BlockSpec((blk, d), lambda i: (i, 0)),
        out_shape=jax.ShapeDtypeStruct((rows, d), jnp.float32),
    )(sums, degs, ones16, fd, wst, wnt_a, wnt_b, bs, bn)


def kernel(feat_src, feat_dst, edge_index, W_self, b_self, W_neigh, b_neigh):
    n_src, d = feat_src.shape
    n_dst = feat_dst.shape[0]
    e = edge_index.shape[1]

    k_chunks = -(-e // (NS * CH))
    e_pad = NS * k_chunks * CH
    acc_rows = -(-(n_dst + 128) // 512) * 512

    src = edge_index[0].astype(jnp.int32)
    dst = edge_index[1].astype(jnp.int32)
    pad = e_pad - e
    pad_cycle = jnp.arange(pad, dtype=jnp.int32) % 128
    src_t = jnp.concatenate([src, pad_cycle]).reshape(NS, k_chunks, CH)
    dst_t = jnp.concatenate([dst, n_dst + pad_cycle]).reshape(NS, k_chunks, CH)

    fs_a = feat_src[:, :DH]
    fs_b = feat_src[:, DH:]
    zrow = jnp.zeros((acc_rows // NS, DH), jnp.float32)
    zhist = jnp.zeros((acc_rows,), jnp.float32)

    sums, degs = _sc_segment_sum(fs_a, fs_b, src_t, dst_t, zrow, zhist,
                                 acc_rows, k_chunks)

    wnt = W_neigh.T
    return _tc_combine(sums, degs.T, feat_dst, W_self.T, wnt[:DH], wnt[DH:],
                       b_self.reshape(1, d), b_neigh.reshape(1, d),
                       n_dst, 1000)

# --- scband reference (transcript-rebuilt; emitter-appended) ---
"""Pipeline reference for scband-sageconv-bigraph-1872605741717 (READ-ONLY COPY).

The authoritative reference and input builder live on the scoring server;
editing this copy changes nothing except your own understanding.
"""

import jax, jax.numpy as jnp
import numpy as np

N_SRC = 10000
N_DST = 10000
E = 320000
D_IN = 128
D_OUT = 128


def _xavier(key, fan_out, fan_in, gain):
    a = gain * np.sqrt(6.0 / (fan_in + fan_out))
    return jax.random.uniform(key, (fan_out, fan_in), dtype=jnp.float32, minval=-a, maxval=a)


def setup_inputs(seed: int = 0) -> dict:
    key = jax.random.key(seed)
    k1, k2, k3, k4, k5 = jax.random.split(key, 5)
    feat_src = jax.random.normal(k1, (N_SRC, D_IN), dtype=jnp.float32)
    feat_dst = jax.random.normal(k2, (N_DST, D_IN), dtype=jnp.float32)
    edge_index = jax.random.randint(k3, (2, E), 0, N_SRC, dtype=jnp.int64)
    gain = np.sqrt(2.0)  # calculate_gain('relu')
    W_self = _xavier(k4, D_OUT, D_IN, gain)
    W_neigh = _xavier(k5, D_OUT, D_IN, gain)
    b_self = jnp.zeros((D_OUT,), dtype=jnp.float32)
    b_neigh = jnp.zeros((D_OUT,), dtype=jnp.float32)
    return {
        "feat_src": feat_src,
        "feat_dst": feat_dst,
        "edge_index": edge_index,
        "W_self": W_self,
        "b_self": b_self,
        "W_neigh": W_neigh,
        "b_neigh": b_neigh,
    }


def reference(feat_src, feat_dst, edge_index, W_self, b_self, W_neigh, b_neigh):
    # SAGEConv bipartite, aggregator_type='mean':
    #   h_neigh[v] = mean_{u in N(v)} feat_src[u]
    #   rst = fc_self(feat_dst) + fc_neigh(h_neigh)
    src = edge_index[0]
    dst = edge_index[1]
    msgs = jnp.take(feat_src, src, axis=0)                      # gather  [E, D_IN]
    neigh_sum = jax.ops.segment_sum(msgs, dst, num_segments=N_DST)
    deg = jax.ops.segment_sum(jnp.ones((E,), dtype=jnp.float32), dst, num_segments=N_DST)
    # DGL mean-reduce leaves isolated dst nodes at 0
    h_neigh = neigh_sum / jnp.maximum(deg, 1.0)[:, None]
    rst = feat_dst @ W_self.T + b_self + h_neigh @ W_neigh.T + b_neigh
    return rst

if __name__ == "__main__":
    import jax
    _d = setup_inputs()
    print(jax.jit(kernel)(*tuple(_d.values())))

</pallas_src>

<mosaic_0001>
#map = affine_map<(d0, d1) -> (0, 0)>
#map1 = affine_map<(d0, d1) -> (0, 0, 0)>
#map2 = affine_map<(d0, d1) -> (0)>
module attributes {stable_mosaic.version = 14 : i64} {
  func.func @body(%arg0: i32, %arg1: i32, %arg2: memref<10000x64xf32, #tpu.memory_space<hbm>>, %arg3: memref<10000x64xf32, #tpu.memory_space<hbm>>, %arg4: memref<16x157x128xi32, #tpu.memory_space<hbm>>, %arg5: memref<16x157x128xi32, #tpu.memory_space<hbm>>, %arg6: memref<640x64xf32, #tpu.memory_space<hbm>>, %arg7: memref<10240xf32, #tpu.memory_space<hbm>>, %arg8: memref<2x10240x64xf32, #tpu.memory_space<hbm>>, %arg9: memref<16x10240xf32, #tpu.memory_space<hbm>>, %arg10: memref<157x128xi32, #tpu.memory_space<vmem>>, %arg11: memref<157x128xi32, #tpu.memory_space<vmem>>, %arg12: memref<128x64xf32, #tpu.memory_space<vmem>>, %arg13: memref<10240xf32, #tpu.memory_space<vmem>>, %arg14: memref<!tpu.dma_semaphore, #tpu.memory_space<semaphore_mem>>, %arg15: memref<10240x64xf32, #tpu.memory_space<vmem_shared>>) attributes {dimension_semantics = [#tpu.dimension_semantics<core_parallel>, #tpu.dimension_semantics<subcore_parallel>], iteration_bounds = array<i64: 2, 16>, scalar_prefetch = 0 : i64, scratch_operands = 6 : i64, tpu.core_type = #tpu.core_type<sc_vector_subcore>, window_params = [{transform_indices = #map}, {transform_indices = #map}, {transform_indices = #map1}, {transform_indices = #map1}, {transform_indices = #map}, {transform_indices = #map2}, {transform_indices = #map1}, {transform_indices = #map}]} {
    %broadcast_in_dim3A = arith.constant 1.000000e+00 : f32
    %broadcast_in_dim3A_0 = vector.broadcast %broadcast_in_dim3A : f32 to vector<16xf32>
    %mul3A = arith.constant 640 : i32
    %mul3A_1 = arith.muli %arg1, %mul3A : i32
    %dma_start3A = arith.constant 0 : i32
    %dma_start3A_2 = arith.constant 0 : i32
    %dma_start3A_3 = tpu.memref_slice %arg4[%arg1, %dma_start3A, %dma_start3A_2] : memref<16x157x128xi32, #tpu.memory_space<hbm>> -> memref<1x157x128xi32, #tpu.memory_space<hbm>>
    %dma_start3A_4 = tpu.memref_squeeze %dma_start3A_3 : memref<1x157x128xi32, #tpu.memory_space<hbm>> -> memref<157x128xi32, #tpu.memory_space<hbm>>
    %dma_start3A_5 = arith.constant 0 : i32
    %dma_start3A_6 = arith.constant 0 : i32
    %dma_start3A_7 = tpu.memref_slice %arg4[%arg1, %dma_start3A_5, %dma_start3A_6] : memref<16x157x128xi32, #tpu.memory_space<hbm>> -> memref<1x157x128xi32, #tpu.memory_space<hbm>>
    %dma_start3A_8 = tpu.memref_squeeze %dma_start3A_7 : memref<1x157x128xi32, #tpu.memory_space<hbm>> -> memref<157x128xi32, #tpu.memory_space<hbm>>
    tpu.enqueue_dma source(%dma_start3A_8 : memref<157x128xi32, #tpu.memory_space<hbm>>) target(%arg10 : memref<157x128xi32, #tpu.memory_space<vmem>>) target_semaphore(%arg14 : memref<!tpu.dma_semaphore, #tpu.memory_space<semaphore_mem>>)
    %dma_start3A_9 = arith.constant 0 : i32
    %dma_start3A_10 = arith.constant 0 : i32
    %dma_start3A_11 = tpu.memref_slice %arg5[%arg1, %dma_start3A_9, %dma_start3A_10] : memref<16x157x128xi32, #tpu.memory_space<hbm>> -> memref<1x157x128xi32, #tpu.memory_space<hbm>>
    %dma_start3A_12 = tpu.memref_squeeze %dma_start3A_11 : memref<1x157x128xi32, #tpu.memory_space<hbm>> -> memref<157x128xi32, #tpu.memory_space<hbm>>
    %dma_start3A_13 = arith.constant 0 : i32
    %dma_start3A_14 = arith.constant 0 : i32
    %dma_start3A_15 = tpu.memref_slice %arg5[%arg1, %dma_start3A_13, %dma_start3A_14] : memref<16x157x128xi32, #tpu.memory_space<hbm>> -> memref<1x157x128xi32, #tpu.memory_space<hbm>>
    %dma_start3A_16 = tpu.memref_squeeze %dma_start3A_15 : memref<1x157x128xi32, #tpu.memory_space<hbm>> -> memref<157x128xi32, #tpu.memory_space<hbm>>
    tpu.enqueue_dma source(%dma_start3A_16 : memref<157x128xi32, #tpu.memory_space<hbm>>) target(%arg11 : memref<157x128xi32, #tpu.memory_space<vmem>>) target_semaphore(%arg14 : memref<!tpu.dma_semaphore, #tpu.memory_space<semaphore_mem>>)
    tpu.enqueue_dma source(%arg7 : memref<10240xf32, #tpu.memory_space<hbm>>) target(%arg13 : memref<10240xf32, #tpu.memory_space<vmem>>) target_semaphore(%arg14 : memref<!tpu.dma_semaphore, #tpu.memory_space<semaphore_mem>>)
    "tpu.region"() ({
      %run_scoped3A = tpu.sem_alloc : memref<!tpu.dma_semaphore, #tpu.memory_space<semaphore_mem>>
      %dma_start3A_40 = arith.constant 0 : i32
      %dma_start3A_41 = tpu.memref_slice %arg15[%mul3A_1, %dma_start3A_40] : memref<10240x64xf32, #tpu.memory_space<vmem_shared>> -> memref<640x64xf32, #tpu.memory_space<vmem_shared>>
      tpu.enqueue_dma source(%arg6 : memref<640x64xf32, #tpu.memory_space<hbm>>) target(%dma_start3A_41 : memref<640x64xf32, #tpu.memory_space<vmem_shared>>) target_semaphore(%run_scoped3A : memref<!tpu.dma_semaphore, #tpu.memory_space<semaphore_mem>>)
      %dma_wait3A_42 = arith.constant 0 : i32
      %dma_wait3A_43 = tpu.memref_slice %arg15[%mul3A_1, %dma_wait3A_42] : memref<10240x64xf32, #tpu.memory_space<vmem_shared>> -> memref<640x64xf32, #tpu.memory_space<vmem_shared>>
      tpu.wait_dma2 semaphore(%run_scoped3A : memref<!tpu.dma_semaphore, #tpu.memory_space<semaphore_mem>>) src(%arg6 : memref<640x64xf32, #tpu.memory_space<hbm>>) dst(%dma_wait3A_43 : memref<640x64xf32, #tpu.memory_space<vmem_shared>>)
      tpu.yield
    }) : () -> ()
    tpu.wait_dma2 semaphore(%arg14 : memref<!tpu.dma_semaphore, #tpu.memory_space<semaphore_mem>>) src(%arg7 : memref<10240xf32, #tpu.memory_space<hbm>>) dst(%arg13 : memref<10240xf32, #tpu.memory_space<vmem>>)
    %dma_wait3A = arith.constant 0 : i32
    %dma_wait3A_17 = arith.constant 0 : i32
    %dma_wait3A_18 = tpu.memref_slice %arg5[%arg1, %dma_wait3A, %dma_wait3A_17] : memref<16x157x128xi32, #tpu.memory_space<hbm>> -> memref<1x157x128xi32, #tpu.memory_space<hbm>>
    %dma_wait3A_19 = tpu.memref_squeeze %dma_wait3A_18 : memref<1x157x128xi32, #tpu.memory_space<hbm>> -> memref<157x128xi32, #tpu.memory_space<hbm>>
    %dma_wait3A_20 = arith.constant 0 : i32
    %dma_wait3A_21 = arith.constant 0 : i32
    %dma_wait3A_22 = tpu.memref_slice %arg5[%arg1, %dma_wait3A_20, %dma_wait3A_21] : memref<16x157x128xi32, #tpu.memory_space<hbm>> -> memref<1x157x128xi32, #tpu.memory_space<hbm>>
    %dma_wait3A_23 = tpu.memref_squeeze %dma_wait3A_22 : memref<1x157x128xi32, #tpu.memory_space<hbm>> -> memref<157x128xi32, #tpu.memory_space<hbm>>
    tpu.wait_dma2 semaphore(%arg14 : memref<!tpu.dma_semaphore, #tpu.memory_space<semaphore_mem>>) src(%dma_wait3A_23 : memref<157x128xi32, #tpu.memory_space<hbm>>) dst(%arg11 : memref<157x128xi32, #tpu.memory_space<vmem>>)
    %dma_wait3A_24 = arith.constant 0 : i32
    %dma_wait3A_25 = arith.constant 0 : i32
    %dma_wait3A_26 = tpu.memref_slice %arg4[%arg1, %dma_wait3A_24, %dma_wait3A_25] : memref<16x157x128xi32, #tpu.memory_space<hbm>> -> memref<1x157x128xi32, #tpu.memory_space<hbm>>
    %dma_wait3A_27 = tpu.memref_squeeze %dma_wait3A_26 : memref<1x157x128xi32, #tpu.memory_space<hbm>> -> memref<157x128xi32, #tpu.memory_space<hbm>>
    %dma_wait3A_28 = arith.constant 0 : i32
    %dma_wait3A_29 = arith.constant 0 : i32
    %dma_wait3A_30 = tpu.memref_slice %arg4[%arg1, %dma_wait3A_28, %dma_wait3A_29] : memref<16x157x128xi32, #tpu.memory_space<hbm>> -> memref<1x157x128xi32, #tpu.memory_space<hbm>>
    %dma_wait3A_31 = tpu.memref_squeeze %dma_wait3A_30 : memref<1x157x128xi32, #tpu.memory_space<hbm>> -> memref<157x128xi32, #tpu.memory_space<hbm>>
    tpu.wait_dma2 semaphore(%arg14 : memref<!tpu.dma_semaphore, #tpu.memory_space<semaphore_mem>>) src(%dma_wait3A_31 : memref<157x128xi32, #tpu.memory_space<hbm>>) dst(%arg10 : memref<157x128xi32, #tpu.memory_space<vmem>>)
    %barrier3A = arith.constant 0 : index
    tpu.barrier barrier_id(%barrier3A)
    %eq3A = arith.constant 0 : i32
    %eq3A_32 = arith.cmpi eq, %arg0, %eq3A : i32
    %convert_element_type3A = arith.extui %eq3A_32 : i1 to i32
    %cond3A = arith.constant 0 : i32
    %cond3A_33 = arith.cmpi ne, %convert_element_type3A, %cond3A : i32
    scf.if %cond3A_33 {
      %scan3A = arith.constant 0 : i32
      %scan3A_40 = arith.constant 0 : i32
      %scan3A_41 = arith.constant 157 : i32
      %scan3A_42 = arith.addi %scan3A_40, %scan3A_41 : i32
      %scan3A_43 = arith.constant 1 : i32
      scf.for %scan3A_45 = %scan3A_40 to %scan3A_42 step %scan3A_43  : i32 {
        %dma_start3A_46 = arith.constant 0 : i32
        %dma_start3A_47 = tpu.memref_slice %arg10[%scan3A_45, %dma_start3A_46] : memref<157x128xi32, #tpu.memory_space<vmem>> -> memref<1x128xi32, #tpu.memory_space<vmem>>
        %dma_start3A_48 = tpu.memref_squeeze %dma_start3A_47 : memref<1x128xi32, #tpu.memory_space<vmem>> -> memref<128xi32, #tpu.memory_space<vmem>>
        %dma_start3A_49 = arith.constant 0 : i32
        %dma_start3A_50 = arith.constant 0 : i32
        %dma_start3A_51 = tpu.memref_slice %arg2[%dma_start3A_49, %dma_start3A_50] : memref<10000x64xf32, #tpu.memory_space<hbm>> -> memref<10000x64xf32, #tpu.memory_space<hbm>>
        tpu.enqueue_indirect_dma source(%dma_start3A_51 : memref<10000x64xf32, #tpu.memory_space<hbm>>) target(%arg12 : memref<128x64xf32, #tpu.memory_space<vmem>>) offsets(%dma_start3A_48 : memref<128xi32, #tpu.memory_space<vmem>>) semaphore(%arg14 : memref<!tpu.dma_semaphore, #tpu.memory_space<semaphore_mem>>)
        %get3A = arith.index_cast %scan3A_45 : i32 to index
        %get3A_52 = arith.constant 0 : index
        %get3A_53 = tpu.vector_load %arg11[%get3A, %get3A_52] {strides = array<i32>} : memref<157x128xi32, #tpu.memory_space<vmem>>, vector<16xi32>,
        tpu.vector_store_idx %arg13[%get3A_53], %broadcast_in_dim3A_0 {add = true} : memref<10240xf32, #tpu.memory_space<vmem>>[vector<16xi32>], vector<16xf32>,
        %get3A_54 = arith.index_cast %scan3A_45 : i32 to index
        %get3A_55 = arith.constant 16 : index
        %get3A_56 = tpu.vector_load %arg11[%get3A_54, %get3A_55] {strides = array<i32>} : memref<157x128xi32, #tpu.memory_space<vmem>>, vector<16xi32>,
        tpu.vector_store_idx %arg13[%get3A_56], %broadcast_in_dim3A_0 {add = true} : memref<10240xf32, #tpu.memory_space<vmem>>[vector<16xi32>], vector<16xf32>,
        %get3A_57 = arith.index_cast %scan3A_45 : i32 to index
        %get3A_58 = arith.constant 32 : index
        %get3A_59 = tpu.vector_load %arg11[%get3A_57, %get3A_58] {strides = array<i32>} : memref<157x128xi32, #tpu.memory_space<vmem>>, vector<16xi32>,
        tpu.vector_store_idx %arg13[%get3A_59], %broadcast_in_dim3A_0 {add = true} : memref<10240xf32, #tpu.memory_space<vmem>>[vector<16xi32>], vector<16xf32>,
        %get3A_60 = arith.index_cast %scan3A_45 : i32 to index
        %get3A_61 = arith.constant 48 : index
        %get3A_62 = tpu.vector_load %arg11[%get3A_60, %get3A_61] {strides = array<i32>} : memref<157x128xi32, #tpu.memory_space<vmem>>, vector<16xi32>,
        tpu.vector_store_idx %arg13[%get3A_62], %broadcast_in_dim3A_0 {add = true} : memref<10240xf32, #tpu.memory_space<vmem>>[vector<16xi32>], vector<16xf32>,
        %get3A_63 = arith.index_cast %scan3A_45 : i32 to index
        %get3A_64 = arith.constant 64 : index
        %get3A_65 = tpu.vector_load %arg11[%get3A_63, %get3A_64] {strides = array<i32>} : memref<157x128xi32, #tpu.memory_space<vmem>>, vector<16xi32>,
        tpu.vector_store_idx %arg13[%get3A_65], %broadcast_in_dim3A_0 {add = true} : memref<10240xf32, #tpu.memory_space<vmem>>[vector<16xi32>], vector<16xf32>,
        %get3A_66 = arith.index_cast %scan3A_45 : i32 to index
        %get3A_67 = arith.constant 80 : index
        %get3A_68 = tpu.vector_load %arg11[%get3A_66, %get3A_67] {strides = array<i32>} : memref<157x128xi32, #tpu.memory_space<vmem>>, vector<16xi32>,
        tpu.vector_store_idx %arg13[%get3A_68], %broadcast_in_dim3A_0 {add = true} : memref<10240xf32, #tpu.memory_space<vmem>>[vector<16xi32>], vector<16xf32>,
        %get3A_69 = arith.index_cast %scan3A_45 : i32 to index
        %get3A_70 = arith.constant 96 : index
        %get3A_71 = tpu.vector_load %arg11[%get3A_69, %get3A_70] {strides = array<i32>} : memref<157x128xi32, #tpu.memory_space<vmem>>, vector<16xi32>,
        tpu.vector_store_idx %arg13[%get3A_71], %broadcast_in_dim3A_0 {add = true} : memref<10240xf32, #tpu.memory_space<vmem>>[vector<16xi32>], vector<16xf32>,
        %get3A_72 = arith.index_cast %scan3A_45 : i32 to index
        %get3A_73 = arith.constant 112 : index
        %get3A_74 = tpu.vector_load %arg11[%get3A_72, %get3A_73] {strides = array<i32>} : memref<157x128xi32, #tpu.memory_space<vmem>>, vector<16xi32>,
        tpu.vector_store_idx %arg13[%get3A_74], %broadcast_in_dim3A_0 {add = true} : memref<10240xf32, #tpu.memory_space<vmem>>[vector<16xi32>], vector<16xf32>,
        %dma_wait3A_75 = arith.constant 0 : i32
        %dma_wait3A_76 = tpu.memref_slice %arg10[%scan3A_45, %dma_wait3A_75] : memref<157x128xi32, #tpu.memory_space<vmem>> -> memref<1x128xi32, #tpu.memory_space<vmem>>
        %dma_wait3A_77 = tpu.memref_squeeze %dma_wait3A_76 : memref<1x128xi32, #tpu.memory_space<vmem>> -> memref<128xi32, #tpu.memory_space<vmem>>
        %dma_wait3A_78 = arith.constant 0 : i32
        %dma_wait3A_79 = arith.constant 0 : i32
        %dma_wait3A_80 = tpu.memref_slice %arg2[%dma_wait3A_78, %dma_wait3A_79] : memref<10000x64xf32, #tpu.memory_space<hbm>> -> memref<10000x64xf32, #tpu.memory_space<hbm>>
        tpu.wait_indirect_dma semaphore(%arg14 : memref<!tpu.dma_semaphore, #tpu.memory_space<semaphore_mem>>) src(%dma_wait3A_80 : memref<10000x64xf32, #tpu.memory_space<hbm>>) dst(%arg12 : memref<128x64xf32, #tpu.memory_space<vmem>>)
        "tpu.region"() ({
          %run_scoped3A = tpu.sem_alloc : memref<!tpu.dma_semaphore, #tpu.memory_space<semaphore_mem>>
          %dma_start3A_81 = arith.constant 0 : i32
          %dma_start3A_82 = tpu.memref_slice %arg11[%scan3A_45, %dma_start3A_81] : memref<157x128xi32, #tpu.memory_space<vmem>> -> memref<1x128xi32, #tpu.memory_space<vmem>>
          %dma_start3A_83 = tpu.memref_squeeze %dma_start3A_82 : memref<1x128xi32, #tpu.memory_space<vmem>> -> memref<128xi32, #tpu.memory_space<vmem>>
          %dma_start3A_84 = arith.constant 0 : i32
          %dma_start3A_85 = arith.constant 0 : i32
          %dma_start3A_86 = tpu.memref_slice %arg15[%dma_start3A_84, %dma_start3A_85] : memref<10240x64xf32, #tpu.memory_space<vmem_shared>> -> memref<10240x64xf32, #tpu.memory_space<vmem_shared>>
          tpu.enqueue_indirect_dma source(%arg12 : memref<128x64xf32, #tpu.memory_space<vmem>>) target(%dma_start3A_86 : memref<10240x64xf32, #tpu.memory_space<vmem_shared>>) offsets(%dma_start3A_83 : memref<128xi32, #tpu.memory_space<vmem>>) semaphore(%run_scoped3A : memref<!tpu.dma_semaphore, #tpu.memory_space<semaphore_mem>>) {add = true}
          %dma_wait3A_87 = arith.constant 0 : i32
          %dma_wait3A_88 = tpu.memref_slice %arg11[%scan3A_45, %dma_wait3A_87] : memref<157x128xi32, #tpu.memory_space<vmem>> -> memref<1x128xi32, #tpu.memory_space<vmem>>
          %dma_wait3A_89 = tpu.memref_squeeze %dma_wait3A_88 : memref<1x128xi32, #tpu.memory_space<vmem>> -> memref<128xi32, #tpu.memory_space<vmem>>
          %dma_wait3A_90 = arith.constant 0 : i32
          %dma_wait3A_91 = arith.constant 0 : i32
          %dma_wait3A_92 = tpu.memref_slice %arg15[%dma_wait3A_90, %dma_wait3A_91] : memref<10240x64xf32, #tpu.memory_space<vmem_shared>> -> memref<10240x64xf32, #tpu.memory_space<vmem_shared>>
          tpu.wait_indirect_dma semaphore(%run_scoped3A : memref<!tpu.dma_semaphore, #tpu.memory_space<semaphore_mem>>) src(%arg12 : memref<128x64xf32, #tpu.memory_space<vmem>>) dst(%dma_wait3A_92 : memref<10240x64xf32, #tpu.memory_space<vmem_shared>>)
          tpu.yield
        }) : () -> ()
      }
      %scan3A_44 = arith.constant 157 : i32
      "tpu.region"() ({
        %run_scoped3A = tpu.sem_alloc : memref<!tpu.dma_semaphore, #tpu.memory_space<semaphore_mem>>
        %dma_start3A_45 = arith.constant 0 : i32
        %dma_start3A_46 = tpu.memref_slice %arg9[%arg1, %dma_start3A_45] : memref<16x10240xf32, #tpu.memory_space<hbm>> -> memref<1x10240xf32, #tpu.memory_space<hbm>>
        %dma_start3A_47 = tpu.memref_squeeze %dma_start3A_46 : memref<1x10240xf32, #tpu.memory_space<hbm>> -> memref<10240xf32, #tpu.memory_space<hbm>>
        %dma_start3A_48 = arith.constant 0 : i32
        %dma_start3A_49 = tpu.memref_slice %arg9[%arg1, %dma_start3A_48] : memref<16x10240xf32, #tpu.memory_space<hbm>> -> memref<1x10240xf32, #tpu.memory_space<hbm>>
        %dma_start3A_50 = tpu.memref_squeeze %dma_start3A_49 : memref<1x10240xf32, #tpu.memory_space<hbm>> -> memref<10240xf32, #tpu.memory_space<hbm>>
        tpu.enqueue_dma source(%arg13 : memref<10240xf32, #tpu.memory_space<vmem>>) target(%dma_start3A_50 : memref<10240xf32, #tpu.memory_space<hbm>>) target_semaphore(%run_scoped3A : memref<!tpu.dma_semaphore, #tpu.memory_space<semaphore_mem>>)
        %dma_wait3A_51 = arith.constant 0 : i32
        %dma_wait3A_52 = tpu.memref_slice %arg9[%arg1, %dma_wait3A_51] : memref<16x10240xf32, #tpu.memory_space<hbm>> -> memref<1x10240xf32, #tpu.memory_space<hbm>>
        %dma_wait3A_53 = tpu.memref_squeeze %dma_wait3A_52 : memref<1x10240xf32, #tpu.memory_space<hbm>> -> memref<10240xf32, #tpu.memory_space<hbm>>
        %dma_wait3A_54 = arith.constant 0 : i32
        %dma_wait3A_55 = tpu.memref_slice %arg9[%arg1, %dma_wait3A_54] : memref<16x10240xf32, #tpu.memory_space<hbm>> -> memref<1x10240xf32, #tpu.memory_space<hbm>>
        %dma_wait3A_56 = tpu.memref_squeeze %dma_wait3A_55 : memref<1x10240xf32, #tpu.memory_space<hbm>> -> memref<10240xf32, #tpu.memory_space<hbm>>
        tpu.wait_dma2 semaphore(%run_scoped3A : memref<!tpu.dma_semaphore, #tpu.memory_space<semaphore_mem>>) src(%arg13 : memref<10240xf32, #tpu.memory_space<vmem>>) dst(%dma_wait3A_56 : memref<10240xf32, #tpu.memory_space<hbm>>)
        tpu.yield
      }) : () -> ()
    } else {
    }
    %eq3A_34 = arith.constant 1 : i32
    %eq3A_35 = arith.cmpi eq, %arg0, %eq3A_34 : i32
    %convert_element_type3A_36 = arith.extui %eq3A_35 : i1 to i32
    %cond3A_37 = arith.constant 0 : i32
    %cond3A_38 = arith.cmpi ne, %convert_element_type3A_36, %cond3A_37 : i32
    scf.if %cond3A_38 {
      %scan3A = arith.constant 0 : i32
      %scan3A_40 = arith.constant 0 : i32
      %scan3A_41 = arith.constant 157 : i32
      %scan3A_42 = arith.addi %scan3A_40, %scan3A_41 : i32
      %scan3A_43 = arith.constant 1 : i32
      scf.for %scan3A_45 = %scan3A_40 to %scan3A_42 step %scan3A_43  : i32 {
        %dma_start3A_46 = arith.constant 0 : i32
        %dma_start3A_47 = tpu.memref_slice %arg10[%scan3A_45, %dma_start3A_46] : memref<157x128xi32, #tpu.memory_space<vmem>> -> memref<1x128xi32, #tpu.memory_space<vmem>>
        %dma_start3A_48 = tpu.memref_squeeze %dma_start3A_47 : memref<1x128xi32, #tpu.memory_space<vmem>> -> memref<128xi32, #tpu.memory_space<vmem>>
        %dma_start3A_49 = arith.constant 0 : i32
        %dma_start3A_50 = arith.constant 0 : i32
        %dma_start3A_51 = tpu.memref_slice %arg3[%dma_start3A_49, %dma_start3A_50] : memref<10000x64xf32, #tpu.memory_space<hbm>> -> memref<10000x64xf32, #tpu.memory_space<hbm>>
        tpu.enqueue_indirect_dma source(%dma_start3A_51 : memref<10000x64xf32, #tpu.memory_space<hbm>>) target(%arg12 : memref<128x64xf32, #tpu.memory_space<vmem>>) offsets(%dma_start3A_48 : memref<128xi32, #tpu.memory_space<vmem>>) semaphore(%arg14 : memref<!tpu.dma_semaphore, #tpu.memory_space<semaphore_mem>>)
        %dma_wait3A_52 = arith.constant 0 : i32
        %dma_wait3A_53 = tpu.memref_slice %arg10[%scan3A_45, %dma_wait3A_52] : memref<157x128xi32, #tpu.memory_space<vmem>> -> memref<1x128xi32, #tpu.memory_space<vmem>>
        %dma_wait3A_54 = tpu.memref_squeeze %dma_wait3A_53 : memref<1x128xi32, #tpu.memory_space<vmem>> -> memref<128xi32, #tpu.memory_space<vmem>>
        %dma_wait3A_55 = arith.constant 0 : i32
        %dma_wait3A_56 = arith.constant 0 : i32
        %dma_wait3A_57 = tpu.memref_slice %arg3[%dma_wait3A_55, %dma_wait3A_56] : memref<10000x64xf32, #tpu.memory_space<hbm>> -> memref<10000x64xf32, #tpu.memory_space<hbm>>
        tpu.wait_indirect_dma semaphore(%arg14 : memref<!tpu.dma_semaphore, #tpu.memory_space<semaphore_mem>>) src(%dma_wait3A_57 : memref<10000x64xf32, #tpu.memory_space<hbm>>) dst(%arg12 : memref<128x64xf32, #tpu.memory_space<vmem>>)
        "tpu.region"() ({
          %run_scoped3A = tpu.sem_alloc : memref<!tpu.dma_semaphore, #tpu.memory_space<semaphore_mem>>
          %dma_start3A_58 = arith.constant 0 : i32
          %dma_start3A_59 = tpu.memref_slice %arg11[%scan3A_45, %dma_start3A_58] : memref<157x128xi32, #tpu.memory_space<vmem>> -> memref<1x128xi32, #tpu.memory_space<vmem>>
          %dma_start3A_60 = tpu.memref_squeeze %dma_start3A_59 : memref<1x128xi32, #tpu.memory_space<vmem>> -> memref<128xi32, #tpu.memory_space<vmem>>
          %dma_start3A_61 = arith.constant 0 : i32
          %dma_start3A_62 = arith.constant 0 : i32
          %dma_start3A_63 = tpu.memref_slice %arg15[%dma_start3A_61, %dma_start3A_62] : memref<10240x64xf32, #tpu.memory_space<vmem_shared>> -> memref<10240x64xf32, #tpu.memory_space<vmem_shared>>
          tpu.enqueue_indirect_dma source(%arg12 : memref<128x64xf32, #tpu.memory_space<vmem>>) target(%dma_start3A_63 : memref<10240x64xf32, #tpu.memory_space<vmem_shared>>) offsets(%dma_start3A_60 : memref<128xi32, #tpu.memory_space<vmem>>) semaphore(%run_scoped3A : memref<!tpu.dma_semaphore, #tpu.memory_space<semaphore_mem>>) {add = true}
          %dma_wait3A_64 = arith.constant 0 : i32
          %dma_wait3A_65 = tpu.memref_slice %arg11[%scan3A_45, %dma_wait3A_64] : memref<157x128xi32, #tpu.memory_space<vmem>> -> memref<1x128xi32, #tpu.memory_space<vmem>>
          %dma_wait3A_66 = tpu.memref_squeeze %dma_wait3A_65 : memref<1x128xi32, #tpu.memory_space<vmem>> -> memref<128xi32, #tpu.memory_space<vmem>>
          %dma_wait3A_67 = arith.constant 0 : i32
          %dma_wait3A_68 = arith.constant 0 : i32
          %dma_wait3A_69 = tpu.memref_slice %arg15[%dma_wait3A_67, %dma_wait3A_68] : memref<10240x64xf32, #tpu.memory_space<vmem_shared>> -> memref<10240x64xf32, #tpu.memory_space<vmem_shared>>
          tpu.wait_indirect_dma semaphore(%run_scoped3A : memref<!tpu.dma_semaphore, #tpu.memory_space<semaphore_mem>>) src(%arg12 : memref<128x64xf32, #tpu.memory_space<vmem>>) dst(%dma_wait3A_69 : memref<10240x64xf32, #tpu.memory_space<vmem_shared>>)
          tpu.yield
        }) : () -> ()
      }
      %scan3A_44 = arith.constant 157 : i32
    } else {
    }
    %barrier3A_39 = arith.constant 0 : index
    tpu.barrier barrier_id(%barrier3A_39)
    "tpu.region"() ({
      %run_scoped3A = tpu.sem_alloc : memref<!tpu.dma_semaphore, #tpu.memory_space<semaphore_mem>>
      %dma_start3A_40 = arith.constant 0 : i32
      %dma_start3A_41 = tpu.memref_slice %arg8[%arg0, %mul3A_1, %dma_start3A_40] : memref<2x10240x64xf32, #tpu.memory_space<hbm>> -> memref<1x640x64xf32, #tpu.memory_space<hbm>>
      %dma_start3A_42 = tpu.memref_squeeze %dma_start3A_41 : memref<1x640x64xf32, #tpu.memory_space<hbm>> -> memref<640x64xf32, #tpu.memory_space<hbm>>
      %dma_start3A_43 = arith.constant 0 : i32
      %dma_start3A_44 = tpu.memref_slice %arg15[%mul3A_1, %dma_start3A_43] : memref<10240x64xf32, #tpu.memory_space<vmem_shared>> -> memref<640x64xf32, #tpu.memory_space<vmem_shared>>
      tpu.enqueue_dma source(%dma_start3A_44 : memref<640x64xf32, #tpu.memory_space<vmem_shared>>) target(%dma_start3A_42 : memref<640x64xf32, #tpu.memory_space<hbm>>) target_semaphore(%run_scoped3A : memref<!tpu.dma_semaphore, #tpu.memory_space<semaphore_mem>>)
      %dma_wait3A_45 = arith.constant 0 : i32
      %dma_wait3A_46 = tpu.memref_slice %arg8[%arg0, %mul3A_1, %dma_wait3A_45] : memref<2x10240x64xf32, #tpu.memory_space<hbm>> -> memref<1x640x64xf32, #tpu.memory_space<hbm>>
      %dma_wait3A_47 = tpu.memref_squeeze %dma_wait3A_46 : memref<1x640x64xf32, #tpu.memory_space<hbm>> -> memref<640x64xf32, #tpu.memory_space<hbm>>
      %dma_wait3A_48 = arith.constant 0 : i32
      %dma_wait3A_49 = tpu.memref_slice %arg15[%mul3A_1, %dma_wait3A_48] : memref<10240x64xf32, #tpu.memory_space<vmem_shared>> -> memref<640x64xf32, #tpu.memory_space<vmem_shared>>
      tpu.wait_dma2 semaphore(%run_scoped3A : memref<!tpu.dma_semaphore, #tpu.memory_space<semaphore_mem>>) src(%dma_wait3A_49 : memref<640x64xf32, #tpu.memory_space<vmem_shared>>) dst(%dma_wait3A_47 : memref<640x64xf32, #tpu.memory_space<hbm>>)
      tpu.yield
    }) : () -> ()
    return
  }
}

module attributes {stable_mosaic.version = 14 : i64} {
  func.func @body(%arg0: i32, %arg1: memref<2x1000x64xf32, #tpu.memory_space<vmem>>, %arg2: memref<1000x16xf32, #tpu.memory_space<vmem>>, %arg3: memref<16x1xf32, #tpu.memory_space<vmem>>, %arg4: memref<1000x128xf32, #tpu.memory_space<vmem>>, %arg5: memref<128x128xf32, #tpu.memory_space<vmem>>, %arg6: memref<64x128xf32, #tpu.memory_space<vmem>>, %arg7: memref<64x128xf32, #tpu.memory_space<vmem>>, %arg8: memref<1x128xf32, #tpu.memory_space<vmem>>, %arg9: memref<1x128xf32, #tpu.memory_space<vmem>>, %arg10: memref<1000x128xf32, #tpu.memory_space<vmem>>) attributes {dimension_semantics = [#tpu.dimension_semantics<arbitrary>], iteration_bounds = array<i64: 10>, scalar_prefetch = 0 : i64, scratch_operands = 0 : i64, tpu.core_type = #tpu.core_type<tc>, window_params = [{transform_indices = @transform_0, window_bounds = array<i64: 2, 1000, 64>}, {transform_indices = @transform_1, window_bounds = array<i64: 1000, 16>}, {pipeline_mode = #tpu.pipeline_mode<synchronous>, transform_indices = @transform_2, window_bounds = array<i64: 16, 1>}, {transform_indices = @transform_3, window_bounds = array<i64: 1000, 128>}, {pipeline_mode = #tpu.pipeline_mode<synchronous>, transform_indices = @transform_4, window_bounds = array<i64: 128, 128>}, {pipeline_mode = #tpu.pipeline_mode<synchronous>, transform_indices = @transform_5, window_bounds = array<i64: 64, 128>}, {pipeline_mode = #tpu.pipeline_mode<synchronous>, transform_indices = @transform_6, window_bounds = array<i64: 64, 128>}, {pipeline_mode = #tpu.pipeline_mode<synchronous>, transform_indices = @transform_7, window_bounds = array<i64: 1, 128>}, {pipeline_mode = #tpu.pipeline_mode<synchronous>, transform_indices = @transform_8, window_bounds = array<i64: 1, 128>}, {transform_indices = @transform_9, window_bounds = array<i64: 1000, 128>}]} {
    %get3A = arith.constant 0 : index
    %get3A_0 = arith.constant 0 : index
    %get3A_1 = arith.constant 0 : index
    %get3A_2 = vector.load %arg1[%get3A, %get3A_0, %get3A_1] : memref<2x1000x64xf32, #tpu.memory_space<vmem>>, vector<1x1000x64xf32>
    %get3A_3 = vector.shape_cast %get3A_2 : vector<1x1000x64xf32> to vector<1000x64xf32>
    %get3A_4 = arith.constant 1 : index
    %get3A_5 = arith.constant 0 : index
    %get3A_6 = arith.constant 0 : index
    %get3A_7 = vector.load %arg1[%get3A_4, %get3A_5, %get3A_6] : memref<2x1000x64xf32, #tpu.memory_space<vmem>>, vector<1x1000x64xf32>
    %get3A_8 = vector.shape_cast %get3A_7 : vector<1x1000x64xf32> to vector<1000x64xf32>
    %get3A_9 = arith.constant 0 : index
    %get3A_10 = arith.constant 0 : index
    %get3A_11 = vector.load %arg2[%get3A_9, %get3A_10] : memref<1000x16xf32, #tpu.memory_space<vmem>>, vector<1000x16xf32>
    %get3A_12 = arith.constant 0 : index
    %get3A_13 = arith.constant 0 : index
    %get3A_14 = vector.load %arg3[%get3A_12, %get3A_13] : memref<16x1xf32, #tpu.memory_space<vmem>>, vector<16x1xf32>
    %dot_general3A = arith.constant dense<0.000000e+00> : vector<1000x1xf32>
    %dot_general3A_15 = tpu.matmul %get3A_11, %get3A_14, %dot_general3A {dimension_numbers = #tpu.dot_dimension_numbers<[1], [0], [0], [1], [0, 0, 1, 1], [], []>, transpose_lhs_hint = false} : vector<1000x16xf32>, vector<16x1xf32>, vector<1000x1xf32> -> vector<1000x1xf32>
    %max3A = arith.constant 1.000000e+00 : f32
    %max3A_16 = vector.broadcast %max3A : f32 to vector<1000x1xf32>
    %max3A_17 = arith.maximumf %dot_general3A_15, %max3A_16 : vector<1000x1xf32>
    %div3A = arith.constant 1.000000e+00 : f32
    %div3A_18 = vector.broadcast %div3A : f32 to vector<1000x1xf32>
    %div3A_19 = arith.divf %div3A_18, %max3A_17 : vector<1000x1xf32>
    %get3A_20 = arith.constant 0 : index
    %get3A_21 = arith.constant 0 : index
    %get3A_22 = vector.load %arg4[%get3A_20, %get3A_21] : memref<1000x128xf32, #tpu.memory_space<vmem>>, vector<1000x128xf32>
    %get3A_23 = arith.constant 0 : index
    %get3A_24 = arith.constant 0 : index
    %get3A_25 = vector.load %arg5[%get3A_23, %get3A_24] : memref<128x128xf32, #tpu.memory_space<vmem>>, vector<128x128xf32>
    %dot_general3A_26 = arith.constant dense<0.000000e+00> : vector<1000x128xf32>
    %dot_general3A_27 = tpu.matmul %get3A_22, %get3A_25, %dot_general3A_26 {dimension_numbers = #tpu.dot_dimension_numbers<[1], [0], [0], [1], [0, 0, 1, 1], [], []>, transpose_lhs_hint = false} : vector<1000x128xf32>, vector<128x128xf32>, vector<1000x128xf32> -> vector<1000x128xf32>
    %mul3A = vector.broadcast %div3A_19 : vector<1000x1xf32> to vector<1000x64xf32>
    %mul3A_28 = arith.mulf %get3A_3, %mul3A : vector<1000x64xf32>
    %get3A_29 = arith.constant 0 : index
    %get3A_30 = arith.constant 0 : index
    %get3A_31 = vector.load %arg6[%get3A_29, %get3A_30] : memref<64x128xf32, #tpu.memory_space<vmem>>, vector<64x128xf32>
    %dot_general3A_32 = arith.constant dense<0.000000e+00> : vector<1000x128xf32>
    %dot_general3A_33 = tpu.matmul %mul3A_28, %get3A_31, %dot_general3A_32 {dimension_numbers = #tpu.dot_dimension_numbers<[1], [0], [0], [1], [0, 0, 1, 1], [], []>, transpose_lhs_hint = false} : vector<1000x64xf32>, vector<64x128xf32>, vector<1000x128xf32> -> vector<1000x128xf32>
    %add3A = arith.addf %dot_general3A_27, %dot_general3A_33 : vector<1000x128xf32>
    %mul3A_34 = vector.broadcast %div3A_19 : vector<1000x1xf32> to vector<1000x64xf32>
    %mul3A_35 = arith.mulf %get3A_8, %mul3A_34 : vector<1000x64xf32>
    %get3A_36 = arith.constant 0 : index
    %get3A_37 = arith.constant 0 : index
    %get3A_38 = vector.load %arg7[%get3A_36, %get3A_37] : memref<64x128xf32, #tpu.memory_space<vmem>>, vector<64x128xf32>
    %dot_general3A_39 = arith.constant dense<0.000000e+00> : vector<1000x128xf32>
    %dot_general3A_40 = tpu.matmul %mul3A_35, %get3A_38, %dot_general3A_39 {dimension_numbers = #tpu.dot_dimension_numbers<[1], [0], [0], [1], [0, 0, 1, 1], [], []>, transpose_lhs_hint = false} : vector<1000x64xf32>, vector<64x128xf32>, vector<1000x128xf32> -> vector<1000x128xf32>
    %add3A_41 = arith.addf %add3A, %dot_general3A_40 : vector<1000x128xf32>
    %get3A_42 = arith.constant 0 : index
    %get3A_43 = arith.constant 0 : index
    %get3A_44 = vector.load %arg8[%get3A_42, %get3A_43] : memref<1x128xf32, #tpu.memory_space<vmem>>, vector<1x128xf32>
    %add3A_45 = vector.broadcast %get3A_44 : vector<1x128xf32> to vector<1000x128xf32>
    %add3A_46 = arith.addf %add3A_41, %add3A_45 : vector<1000x128xf32>
    %get3A_47 = arith.constant 0 : index
    %get3A_48 = arith.constant 0 : index
    %get3A_49 = vector.load %arg9[%get3A_47, %get3A_48] : memref<1x128xf32, #tpu.memory_space<vmem>>, vector<1x128xf32>
    %add3A_50 = vector.broadcast %get3A_49 : vector<1x128xf32> to vector<1000x128xf32>
    %add3A_51 = arith.addf %add3A_46, %add3A_50 : vector<1000x128xf32>
    %swap3A = arith.constant 0 : index
    %swap3A_52 = arith.constant 0 : index
    %swap3A_53 = vector.load %arg10[%swap3A, %swap3A_52] : memref<1000x128xf32, #tpu.memory_space<vmem>>, vector<1000x128xf32>
    tpu.vector_store %arg10[%swap3A, %swap3A_52], %add3A_51 {strides = array<i32>} : memref<1000x128xf32, #tpu.memory_space<vmem>>, vector<1000x128xf32>,
    return
  }
  func.func @transform_0(%arg0: i32) -> (i32, i32, i32) {
    %c0_i32 = arith.constant 0 : i32
    %c0_i32_0 = arith.constant 0 : i32
    %c0_i32_1 = arith.constant 0 : i32
    return %c0_i32, %arg0, %c0_i32_0 : i32, i32, i32
  }
  func.func @transform_1(%arg0: i32) -> (i32, i32) {
    %c0_i32 = arith.constant 0 : i32
    %c0_i32_0 = arith.constant 0 : i32
    return %arg0, %c0_i32 : i32, i32
  }
  func.func @transform_2(%arg0: i32) -> (i32, i32) {
    %c0_i32 = arith.constant 0 : i32
    %c0_i32_0 = arith.constant 0 : i32
    %c0_i32_1 = arith.constant 0 : i32
    return %c0_i32, %c0_i32_0 : i32, i32
  }
  func.func @transform_3(%arg0: i32) -> (i32, i32) {
    %c0_i32 = arith.constant 0 : i32
    %c0_i32_0 = arith.constant 0 : i32
    return %arg0, %c0_i32 : i32, i32
  }
  func.func @transform_4(%arg0: i32) -> (i32, i32) {
    %c0_i32 = arith.constant 0 : i32
    %c0_i32_0 = arith.constant 0 : i32
    %c0_i32_1 = arith.constant 0 : i32
    return %c0_i32, %c0_i32_0 : i32, i32
  }
  func.func @transform_5(%arg0: i32) -> (i32, i32) {
    %c0_i32 = arith.constant 0 : i32
    %c0_i32_0 = arith.constant 0 : i32
    %c0_i32_1 = arith.constant 0 : i32
    return %c0_i32, %c0_i32_0 : i32, i32
  }
  func.func @transform_6(%arg0: i32) -> (i32, i32) {
    %c0_i32 = arith.constant 0 : i32
    %c0_i32_0 = arith.constant 0 : i32
    %c0_i32_1 = arith.constant 0 : i32
    return %c0_i32, %c0_i32_0 : i32, i32
  }
  func.func @transform_7(%arg0: i32) -> (i32, i32) {
    %c0_i32 = arith.constant 0 : i32
    %c0_i32_0 = arith.constant 0 : i32
    %c0_i32_1 = arith.constant 0 : i32
    return %c0_i32, %c0_i32_0 : i32, i32
  }
  func.func @transform_8(%arg0: i32) -> (i32, i32) {
    %c0_i32 = arith.constant 0 : i32
    %c0_i32_0 = arith.constant 0 : i32
    %c0_i32_1 = arith.constant 0 : i32
    return %c0_i32, %c0_i32_0 : i32, i32
  }
  func.func @transform_9(%arg0: i32) -> (i32, i32) {
    %c0_i32 = arith.constant 0 : i32
    %c0_i32_0 = arith.constant 0 : i32
    return %arg0, %c0_i32 : i32, i32
  }
}

</mosaic_0001>

<sc_bundles>
// kernel: kernel.4.cloned.1.call-start
scs
__scs_entry_jumppad:
0x0: {  	(pc) =	sbr.rel $0x88, $3  }
0x1: {  	(tag) =	ssettag $0x0;
	lr =	simm.s32 $0x1  }
0x2: {  	[smem:$0x3F9A] =	sst lr;
	_ =	strace $0xD0000000  }
0x3: {  	_ = 	snop  }
0x4: {  	_ = 	snop  }
0x5: {  	_ = 	snop  }
0x6: {  	_ = 	snop  }
0x7: {  	_ = 	snop  }
__scs_overlays_trampoline_lowered:
0x8: {  	[smem:$0x3FA9] =	sst s0  }
0x9: {  	[smem:$0x3FAA] =	sst s1  }
0xa: {  	[smem:$0x3FAB] =	sst s2  }
0xb: {  	[smem:$0x3FAC] =	sst s3  }
0xc: {  	[smem:$0x3FAD] =	sst s4  }
0xd: {  	[smem:$0x3FAE] =	sst s5  }
0xe: {  	[smem:$0x3FAF] =	sst s6  }
0xf: {  	[smem:$0x3FB0] =	sst s7  }
0x10: {  	[smem:$0x3FB1] =	sst s8  }
0x11: {  	[smem:$0x3FB2] =	sst s9;
	s0 =	simm.s32 @!p0 $0x0  }
0x12: {  	s1 =	sld [smem:$0x3F98];
	s0 =	simm.s32 @p0 $0x1  }
0x13: {  	[smem:$0x3FB3] =	sst s0;
	s0 =	simm.s32 @!p1 $0x0  }
0x14: {  	s2 =	sld [smem:$0x3F97];
	s0 =	simm.s32 @p1 $0x1  }
0x15: {  	[smem:$0x3FB4] =	sst s0;
	s0 =	simm.s32 @!p2 $0x0  }
0x16: {  	s3 =	sld [smem:$0x3FDB];
	s0 =	simm.s32 @p2 $0x1  }
0x17: {  	s4 =	simm.s32 $0x1BF5;
	[smem:$0x3FB6] =	sst s0  }
0x18: {  	s0 =	sld [smem:$0x3F99];
	_ =	swait.ge [sflag:s4], $0x0  }
0x19: {  	s7 =	sld [smem:$0x3F9A]  }
0x1a: {  	s8 =	sadd.s32 $0xFFFFE003, lr  }
0x1b: {  	s9 =	sadd.s32 $0xFFFFFEF7, lr;
	s5 =	simm.s32 $0xFFFFFFFF;
	p2 =	slt.u32 s8, $0xFFFFF086  }
0x1c: {  	p1 =	slt.u32 s9, $0xF7A;
	s5 =	simm.s32 @!p2 $0x0  }
0x1d: {  	s5 =	simm.s32 @p1 $0x1;
	p0 =	seq.s32 s7, s2  }
0x1e: {  	s7 =	smul.u32 @!p0 $0xF7A, s2;
	p2 =	seq.s32 @!p0 s5, $0x0  }
0x1f: {  	s9 =	smul.u32 $0xF7A, s1;
	s8 =	simm.s32 @!p0 $0x1BF5;
	p2 =	por !p2, p0  }
0x20: {  	[sflag:s8] =	ssyncset.s32 @!p0 $0xFFFFF086;
	s6 =	sadd.s32 @!p0 s3, s7;
	s7 =	simm.s32 @!p0 $0x108  }
0x21: {  	s3 =	sadd.s32 s3, s9;
	s6 =	sadd.s32 @!p0 $0x88, s6;
	s7 =	simm.s32 @p2 $0x1082  }
0x22: {  	[simem:s7], [sflag:s8] =	dma.local @!p0 [hbm:s6], $0xF7A  }
0x23: {  	s9 =	sor.u32 $0xD0000000, s2;
	s6 =	simm.s32 $0x108;
	_ =	swait.ge @!p0 [sflag:s8], $0x0  }
0x24: {  	s3 =	sadd.s32 $0x88, s3;
	s6 =	simm.s32 @!p1 $0x1082;
	[sflag:s4] =	ssyncset.s32 $0xFFFFF086  }
0x25: {  	[simem:s6], [sflag:s4] =	dma.local [hbm:s3], $0xF7A  }
0x26: {  	[smem:$0x3F9A] =	sst s1;
	(tag) =	ssettag s2;
	_ =	strace s9  }
0x27: {  	s1 =	sld [smem:$0x3FAA]  }
0x28: {  	s2 =	sld [smem:$0x3FAB]  }
0x29: {  	s4 =	sld [smem:$0x3FAD]  }
0x2a: {  	p0 =	seq.s32 s5, $0x0;
	s5 =	sld [smem:$0x3FAE]  }
0x2b: {  	s6 =	sld [smem:$0x3FAF]  }
0x2c: {  	s7 =	sld [smem:$0x3FB0]  }
0x2d: {  	s3 =	simm.s32 $0x108;
	s8 =	sld [smem:$0x3FB1]  }
0x2e: {  	s3 =	simm.s32 @!p0 $0x1082;
	s9 =	sld [smem:$0x3FB2]  }
0x2f: {  	lr =	sadd.s32 s0, s3;
	s0 =	sld [smem:$0x3FA9]  }
0x30: {  	s3 =	sld [smem:$0x3FAC]  }
0x31: {  	[smem:$0x3FB5] =	sst s10  }
0x32: {  	s10 =	sld [smem:$0x3FB3];
	_ =	sdelay $0x3  }
0x33: {  	p0 =	seq.s32 s10, $0x1;
	s10 =	sld [smem:$0x3FB5];
	_ =	sdelay $0x3  }
0x34: {  	[smem:$0x3FB5] =	sst s10  }
0x35: {  	s10 =	sld [smem:$0x3FB4];
	_ =	sdelay $0x3  }
0x36: {  	p1 =	seq.s32 s10, $0x1;
	s10 =	sld [smem:$0x3FB5];
	_ =	sdelay $0x3  }
0x37: {  	[smem:$0x3FB5] =	sst s10  }
0x38: {  	s10 =	sld [smem:$0x3FB6]  }
0x39: {  	_ = 	snop;
	(pc) =	sbr.ind lr, $3  }
0x3a: {  	_ = 	snop  }
0x3b: {  	_ = 	snop  }
0x3c: {  	p2 =	seq.s32 s10, $0x1;
	s10 =	sld [smem:$0x3FB5]  }
0x3d: {  	_ =	shalt  }
0x3e: {  	_ =	shalt  }
0x3f: {  	_ =	shalt  }
0x40: {  	_ =	shalt  }
0x41: {  	_ =	shalt  }
0x42: {  	_ =	shalt  }
0x43: {  	_ =	shalt  }
0x44: {  	_ =	shalt  }
0x45: {  	_ =	shalt  }
0x46: {  	_ =	shalt  }
0x47: {  	_ =	shalt  }
0x48: {  	_ =	shalt  }
0x49: {  	_ =	shalt  }
0x4a: {  	_ =	shalt  }
0x4b: {  	_ =	shalt  }
0x4c: {  	_ =	shalt  }
0x4d: {  	_ =	shalt  }
0x4e: {  	_ =	shalt  }
0x4f: {  	_ =	shalt  }
0x50: {  	_ =	shalt  }
0x51: {  	_ =	shalt  }
0x52: {  	_ =	shalt  }
0x53: {  	_ =	shalt  }
0x54: {  	_ =	shalt  }
0x55: {  	_ =	shalt  }
0x56: {  	_ =	shalt  }
0x57: {  	_ =	shalt  }
0x58: {  	_ =	shalt  }
0x59: {  	_ =	shalt  }
0x5a: {  	_ =	shalt  }
0x5b: {  	_ =	shalt  }
0x5c: {  	_ =	shalt  }
0x5d: {  	_ =	shalt  }
0x5e: {  	_ =	shalt  }
0x5f: {  	_ =	shalt  }
0x60: {  	_ =	shalt  }
0x61: {  	_ =	shalt  }
0x62: {  	_ =	shalt  }
0x63: {  	_ =	shalt  }
0x64: {  	_ =	shalt  }
0x65: {  	_ =	shalt  }
0x66: {  	_ =	shalt  }
0x67: {  	_ =	shalt  }
0x68: {  	_ =	shalt  }
0x69: {  	_ =	shalt  }
0x6a: {  	_ =	shalt  }
0x6b: {  	_ =	shalt  }
0x6c: {  	_ =	shalt  }
0x6d: {  	_ =	shalt  }
0x6e: {  	_ =	shalt  }
0x6f: {  	_ =	shalt  }
0x70: {  	_ =	shalt  }
0x71: {  	_ =	shalt  }
0x72: {  	_ =	shalt  }
0x73: {  	_ =	shalt  }
0x74: {  	_ =	shalt  }
0x75: {  	_ =	shalt  }
0x76: {  	_ =	shalt  }
0x77: {  	_ =	shalt  }
0x78: {  	_ =	shalt  }
0x79: {  	_ =	shalt  }
0x7a: {  	_ =	shalt  }
0x7b: {  	_ =	shalt  }
0x7c: {  	_ =	shalt  }
0x7d: {  	_ =	shalt  }
0x7e: {  	_ =	shalt  }
0x7f: {  	_ =	shalt  }
0x80: {  	_ =	shalt  }
0x81: {  	_ =	shalt  }
0x82: {  	_ =	shalt  }
0x83: {  	_ =	shalt  }
0x84: {  	_ =	shalt  }
0x85: {  	_ =	shalt  }
0x86: {  	_ =	shalt  }
0x87: {  	_ =	shalt  }
.Lfunc_end0:
.L_simem_size_0:
called_computation_lowered:
.L_overlay_start_0:
0x88: {  	s2 =	sld [smem:$0x3FD9]  }
0x89: {  	s3 =	sld [smem:$0x3FFE];
	_ =	sdelay $0x1  }
0x8a: {  	s1 =	srdreg.scid  }
0x8b: {  	s0 =	sand.u32 $0x1, s1  }
0x8c: {  	s17 =	sshll.u32 s0, $0xA;
	s2 =	sadd.s32 s3, s2  }
0x8d: {  	s2 =	sadd.s32 s2, s17  }
0x8e: {  	[smem:$0x3FC1] =	sst s2  }
0x8f: {  	_ = 	snop  }
0x90: {  	s2 =	sld [smem:$0x3FD0];
	(tm) =	ssettm $0x1  }
0x91: {  	s18 =	sld [smem:$0x3FFB];
	_ =	sdelay $0x3  }
0x92: {  	_ =	strace s18  }
0x93: {  	s3 =	sld [smem:$0x3FFC];
	_ =	sdelay $0x3  }
0x94: {  	_ =	strace s3  }
0x95: {  	s3 =	sld [smem:$0x3FFD];
	_ =	sdelay $0x3  }
0x96: {  	_ =	strace s3  }
0x97: {  	_ =	strace $0x8FFFFFFF  }
0x98: {  	s19 =	sld [smem:$0x3FDB];
	_ =	sdelay $0x1  }
0x99: {  	s4 =	simm.s32 $_scs_section_size  }
0x9a: {  	s5 =	simm.s32 $_size__tile_overlayer_lowered;
	s6 =	simm.s32 $_tile_overlayer_lowered  }
0x9b: {  	s22 =	simm.s32 $0x1BFF;
	s21 =	sshll.u32 s6, $0x1;
	s3 =	sadd.s32 s4, s19  }
0x9c: {  	s7 =	simm.s32 $0x0;
	s20 =	sshll.u32 s5, $0x1;
	s5 =	sadd.s32 s21, s3  }
0x9d: {  	[timem:s7], [sflag:s22] =	dma.local [hbm:s5], s20  }
0x9e: {  	_ =	swait.ge [sflag:s22], s20  }
0x9f: {  	s4 =	ssub.s32 $0x0, s20;
	[sflag:s22] =	ssyncset.done $0x0  }
0xa0: {  	[sflag:s22] =	ssyncadd.s32 s4;
	_ =	sdelay $0x1  }
0xa1: {  	s23 =	simm.s32 $0x1B8B  }
0xa2: {  	_ =	swait.ge [sflag:s23], $0x1  }
0xa3: {  	[sflag:s23] =	ssyncset.done $0x0  }
0xa4: {  	s25 =	simm.s32 $0x1B8E;
	s24 =	sld [smem:$0x3FFE];
	[sflag:s23] =	ssyncadd.s32 $0xFFFFFFFF  }
0xa5: {  	s26 =	simm.s32 $execute0_lowered;
	[smem:$0x3FD2] =	sst s25  }
0xa6: {  	s5 =	sshll.u32 s26, $0x1;
	_ =	strace $0x80000046;
	[dreg:$0x1] =	wrdreg $0xFFFFFFFF  }
0xa7: {  	s28 =	simm.s32 $_size_execute0_lowered;
	s3 =	sadd.s32 s3, s5;
	[dreg:$0x0] =	wrdreg $0x0  }
0xa8: {  	s5 =	sshll.u32 s28, $0x1;
	[dreg:$0x2] =	wrdreg s3  }
0xa9: {  	[dreg:$0x3] =	wrdreg s5  }
0xaa: {  	[dreg:$0x4] =	wrdreg $0xC0  }
0xab: {  	_ =	task [dreg:s7], $0x5FFFF  }
0xac: {  	[dreg:$0x1] =	wrdreg $0xFFFFFFFF  }
0xad: {  	[dreg:$0x0] =	wrdreg $0x60  }
0xae: {  	[dreg:$0x2] =	wrdreg s2  }
0xaf: {  	[dreg:$0x3] =	wrdreg s24  }
0xb0: {  	[dreg:$0x4] =	wrdreg $0xE5000  }
0xb1: {  	[dreg:$0x5] =	wrdreg $0x9  }
0xb2: {  	_ =	task.clear_ibuf [dreg:s7], $0x6FFFF;
	_ =	strace $0x90000046  }
0xb3: {  	s29 =	simm.s32 $0x9;
	_ =	strace $0x80000048  }
0xb4: {  	_ =	swait.ge [sflag:s29], $0x1  }
0xb5: {  	[sflag:s29] =	ssyncadd.s32 $0xFFFFFFFF  }
0xb6: {  	_ =	strace $0x90000048  }
0xb7: {  	_ =	sfence  }
0xb8: {  	s30 =	sld [smem:$0x0];
	_ =	sdelay $0x2  }
0xb9: {  	s31 =	sshll.u32 s1, $0xD;
	s1 =	sshrl.u32 s1, $0x2  }
0xba: {  	s3 =	sand.u32 $0x4000, s31;
	s1 =	sadd.s32 s1, s30  }
0xbb: {  	s0 =	sor.u32 s3, s0;
	s1 =	sshll.u32 s1, $0x11  }
0xbc: {  	s0 =	sor.u32 s1, s0  }
0xbd: {  	s0 =	sadd.s32 $0x8F2B, s0  }
0xbe: {  	[sflag:s0] =	ssyncadd.remote.s32 $0x1  }
0xbf: {  	_ =	sfence.sel $0xFFFF  }
0xc0: {  	[dreg:$0x0] =	wrdreg $0xFFFFFFFF;
	(pc) =	sbr.abs _section_cstart, $3  }
0xc1: {  	[dreg:$0x1] =	wrdreg $0xFFFFFFFF  }
0xc2: {  	_ =	task.clear_ibuf [dreg:s7], $0x2FFFF;
	_ =	strace $0x9FFFFFFF  }
0xc3: {  	(tm) =	ssettm $0x7FFFFFFF  }
tec
execute0_lowered:
.L_overlay_start_1:
0x0: {  	(tag) =	ssettag $0x1  }
0x1: {  	s2 =	rddreg [dreg:$0x0]  }
0x2: {  	s8 =	rddreg [dreg:$0x1]  }
0x3: {  	s3 =	rddreg [dreg:$0x2]  }
0x4: {  	s0 =	rddreg [dreg:$0x3]  }
0x5: {  	s1 =	stileid.u32;
	s5 =	srdreg.scid;
	s4 =	simm.s32 $0x0  }
0x6: {  	s17 =	simm.s32 $0x2;
	s18 =	simm.s32 $0x1;
	s19 =	simm.s32 $0x80  }
0x7: {  	s20 =	simm.s32 $0x9D00;
	s21 =	simm.s32 $0x0;
	s6 =	smul.u32 $0x9D0, s1  }
0x8: {  	s11 =	sand.u32 $0x1, s5;
	s10 =	smul.u32 $0xA000, s1;
	[smem:$0x7FF] =	sst s4  }
0x9: {  	s5 =	sadd.s32 $0x1A00, s8;
	s13 =	smul.u32 $0x500, s1;
	s15 =	sshll.u32 s1, $0x6  }
0xa: {  	s7 =	smul.u32 $0xA0000, s11;
	_ =	strace $0x80000047;
	s14 =	ssub.s32 $0x2, s11  }
0xb: {  	p0 =	seq.s32 s11, $0x1;
	s9 =	sadd.s32 s6, s8;
	s6 =	sadd.s32 $0x29000, s8  }
0xc: {  	s13 =	sadd.s32 s13, s8;
	s31 =	sshrl.u32 s14, $0x1;
	s16 =	sadd.s32 s10, s3  }
.Ltmp0:
0xd: {  	s12 =	sadd.s32 s10, s7;
	s7 =	sadd.s32 $0x2A400, s8;
	(pc) =	sbr.rel .LBB2_1-.Ltmp0, $4  }
0xe: {  	s14 =	ssub.s32 s14, s31;
	s10 =	sor.u32 $0x1C02, s15;
	s11 =	sadd.s32 $0x52A00, s13  }
0xf: {  	s15 =	simm.s32 $0xBD00;
	s16 =	sshrl.u32 s16, $0x3;
	s12 =	sshrl.u32 s12, $0x3  }
0x10: {  	s13 =	smax.u32 s14, $0x1;
	s14 =	simm.s32 $0x4E80;
	s12 =	sadd.s32 s12, s8  }
0x11: {  	v0 =	vimm.f32 $1.000000000e+00;
	s8 =	sadd.s32 $0x15400, s9;
	s9 =	sadd.s32 $0x1F200, s9;
	s12 =	sadd.s32 $0x2AA00, s12  }
.LBB2_6:
0x12: {  	s22 =	sshra.s32 s22, $0x2;
	[sflag:s17] =	ssyncadd.s32 $0xFFFFE000  }
0x13: {  	[tilespmem:s20], [sflag:$0x1] =	stream.indirect.gather [hbm4b:s5+s19], $0x40, s22, s19, $0xb8;
	[tilespmem:$0x18500] =	vst v63  }
0x14: {  	_ =	swait.ge [sflag:s18], $0x2000  }
0x15: {  	[sflag:s18] =	ssyncset.done $0x0  }
0x16: {  	s22 =	sadd.s32 $0x4E80, s22;
	[sflag:s18] =	ssyncadd.s32 $0xFFFFE000  }
0x17: {  	[spmem:s3] =	stream.indirect.scatter.add.f32 [tilespmem:s20], [sflag:$0x2], $0x40, s22, s19, $0xb8;
	[tilespmem:$0x18500] =	vst v63  }
0x18: {  	_ =	swait.ge [sflag:s17], $0x2000  }
0x19: {  	[sflag:s17] =	ssyncset.done $0x0  }
0x1a: {  	[sflag:s17] =	ssyncadd.s32 $0xFFFFE000  }
.LBB2_7:
0x1b: {  	s21 =	sadd.s32 $0x1, s21  }
0x1c: {  	p1 =	sne.s32 s21, s13  }
.Ltmp1:
0x1d: {  	[bflag:$0x0] =	sbarrier.arrive $0xFFFF;
	(pc) =	sbr.rel @!p1 .LBB2_8-.Ltmp1, $4  }
0x1e: {  	[hbm:s12], [sflag:s10] =	dma.local [spmem:s16], $0x1400  }
0x1f: {  	_ =	swait.ge [sflag:s17], $0x1400  }
0x20: {  	[sflag:s17] =	ssyncset.done $0x0  }
0x21: {  	[sflag:s17] =	ssyncadd.s32 $0xFFFFEC00  }
.LBB2_1:
0x22: {  	[tilespmem:s4], [sflag:$0x1] =	stream.linear.gather [hbm4b:s8+s4], $0x4E80, $0x38;
	[tilespmem:$0x18500] =	vst v63  }
0x23: {  	_ = 	snop  }
0x24: {  	[tilespmem:s14], [sflag:$0x1] =	stream.linear.gather [hbm4b:s9+s4], $0x4E80, $0x38;
	[tilespmem:$0x18500] =	vst v63  }
0x25: {  	_ = 	snop  }
0x26: {  	[tilespmem:s15], [sflag:$0x1] =	stream.linear.gather [hbm4b:s7+s4], $0x2800, $0x38;
	[tilespmem:$0x18500] =	vst v63  }
0x27: {  	[spmem:s16], [sflag:s10] =	dma.local [hbm:s6], $0x1400  }
0x28: {  	_ =	swait.ge [sflag:s17], $0x1400  }
0x29: {  	[sflag:s17] =	ssyncset.done $0x0  }
0x2a: {  	[sflag:s17] =	ssyncadd.s32 $0xFFFFEC00  }
0x2b: {  	_ =	swait.ge [sflag:s18], $0x2800  }
0x2c: {  	[sflag:s18] =	ssyncset.done $0x0  }
0x2d: {  	[sflag:s18] =	ssyncadd.s32 $0xFFFFD800  }
0x2e: {  	_ =	swait.ge [sflag:s18], $0x4E80  }
0x2f: {  	[sflag:s18] =	ssyncset.done $0x0  }
0x30: {  	[sflag:s18] =	ssyncadd.s32 $0xFFFFB180  }
.Ltmp2:
0x31: {  	_ =	swait.ge [sflag:s18], $0x4E80;
	(pc) =	sbr.rel @!p0 .LBB2_2-.Ltmp2, $4  }
0x32: {  	[sflag:s18] =	ssyncset.done $0x0  }
0x33: {  	[sflag:s18] =	ssyncadd.s32 $0xFFFFB180  }
0x34: {  	[bflag:$0x0] =	sbarrier.arrive $0xFFFF  }
0x35: {  	s22 =	simm.s32 $0x0  }
0x36: {  	s22 =	simm.s32 $0x0  }
0x37: {  	[tilespmem:s20], [sflag:$0x1] =	stream.indirect.gather [hbm4b:s5+s19], $0x40, s22, s19, $0xb8;
	[tilespmem:$0x18500] =	vst v63  }
0x38: {  	_ =	swait.ge [sflag:s18], $0x2000  }
0x39: {  	[sflag:s18] =	ssyncset.done $0x0  }
0x3a: {  	s31 =	simm.s32 $0x4E80;
	[sflag:s18] =	ssyncadd.s32 $0xFFFFE000  }
0x3b: {  	[spmem:s3] =	stream.indirect.scatter.add.f32 [tilespmem:s20], [sflag:$0x2], $0x40, s31, s19, $0xb8;
	[tilespmem:$0x18500] =	vst v63  }
0x3c: {  	_ =	swait.ge [sflag:s17], $0x2000  }
0x3d: {  	s23 =	simm.s32 $0x400;
	s22 =	simm.s32 $0x200;
	[sflag:s17] =	ssyncset.done $0x0  }
.LBB2_5:
0x3e: {  	s24 =	sshra.s32 s22, $0x2  }
0x3f: {  	[sflag:s17] =	ssyncadd.s32 $0xFFFFE000;
	s22 =	smov.u32 s23;
	s25 =	sadd.s32 $0x200, s23  }
0x40: {  	[tilespmem:s20], [sflag:$0x1] =	stream.indirect.gather [hbm4b:s5+s19], $0x40, s24, s19, $0xb8;
	[tilespmem:$0x18500] =	vst v63  }
0x41: {  	p1 =	sne.s32 s23, $0x13800;
	_ =	swait.ge [sflag:s18], $0x2000  }
.Ltmp3:
0x42: {  	[sflag:s18] =	ssyncset.done $0x0;
	(pc) =	sbr.rel @p1 .LBB2_5-.Ltmp3, $4  }
0x43: {  	s23 =	sadd.s32 $0x4E80, s24;
	[sflag:s18] =	ssyncadd.s32 $0xFFFFE000  }
0x44: {  	[spmem:s3] =	stream.indirect.scatter.add.f32 [tilespmem:s20], [sflag:$0x2], $0x40, s23, s19, $0xb8;
	[tilespmem:$0x18500] =	vst v63  }
0x45: {  	_ =	swait.ge [sflag:s17], $0x2000  }
0x46: {  	s23 =	smov.u32 s25;
	[sflag:s17] =	ssyncset.done $0x0  }
.Ltmp4:
0x47: {  	_ = 	snop;
	(pc) =	sbr.rel .LBB2_6-.Ltmp4, $1  }
0x48: {  	_ =	sdelay $0x3  }
.LBB2_2:
0x49: {  	s23 =	sshra.s32 s22, $0x2  }
0x4a: {  	[tilespmem:s20], [sflag:$0x1] =	stream.indirect.gather [hbm4b:s2+s19], $0x40, s23, s19, $0xb8;
	[tilespmem:$0x18500] =	vst v63  }
0x4b: {  	v1 =	vld [tilespmem:s23+$0x4E80];
	_ =	sdelay $0x7  }
0x4c: {  	[tilespmem:v1+s15+$0x0] =	vst.idx.add.f32.msk $0xffff, v0  }
0x4d: {  	v1 =	vld [tilespmem:s23+$0x4E90];
	_ =	sdelay $0x7  }
0x4e: {  	[tilespmem:v1+s15+$0x0] =	vst.idx.add.f32.msk $0xffff, v0  }
0x4f: {  	v1 =	vld [tilespmem:s23+$0x4EA0];
	_ =	sdelay $0x7  }
0x50: {  	[tilespmem:v1+s15+$0x0] =	vst.idx.add.f32.msk $0xffff, v0  }
0x51: {  	v1 =	vld [tilespmem:s23+$0x4EB0];
	_ =	sdelay $0x7  }
0x52: {  	[tilespmem:v1+s15+$0x0] =	vst.idx.add.f32.msk $0xffff, v0  }
0x53: {  	v1 =	vld [tilespmem:s23+$0x4EC0];
	_ =	sdelay $0x7  }
0x54: {  	[tilespmem:v1+s15+$0x0] =	vst.idx.add.f32.msk $0xffff, v0  }
0x55: {  	v1 =	vld [tilespmem:s23+$0x4ED0];
	_ =	sdelay $0x7  }
0x56: {  	[tilespmem:v1+s15+$0x0] =	vst.idx.add.f32.msk $0xffff, v0  }
0x57: {  	v1 =	vld [tilespmem:s23+$0x4EE0];
	_ =	sdelay $0x7  }
0x58: {  	[tilespmem:v1+s15+$0x0] =	vst.idx.add.f32.msk $0xffff, v0  }
0x59: {  	v1 =	vld [tilespmem:s23+$0x4EF0];
	_ =	sdelay $0x7  }
0x5a: {  	[tilespmem:v1+s15+$0x0] =	vst.idx.add.f32.msk $0xffff, v0  }
0x5b: {  	_ =	swait.ge [sflag:s18], $0x2000  }
0x5c: {  	p1 =	sne.s32 s22, $0x13800;
	[sflag:s18] =	ssyncset.done $0x0  }
.Ltmp5:
0x5d: {  	s23 =	sadd.s32 $0x4E80, s23;
	[sflag:s18] =	ssyncadd.s32 $0xFFFFE000;
	(pc) =	sbr.rel @p1 .LBB2_2-.Ltmp5, $4  }
0x5e: {  	[spmem:s3] =	stream.indirect.scatter.add.f32 [tilespmem:s20], [sflag:$0x2], $0x40, s23, s19, $0xb8;
	[tilespmem:$0x18500] =	vst v63  }
0x5f: {  	_ =	swait.ge [sflag:s17], $0x2000  }
0x60: {  	[sflag:s17] =	ssyncset.done $0x0  }
0x61: {  	s22 =	sadd.s32 $0x200, s22;
	[sflag:s17] =	ssyncadd.s32 $0xFFFFE000  }
.Ltmp6:
0x62: {  	(pc) =	sbr.rel .LBB2_7-.Ltmp6, $4  }
0x63: {  	[hbm4b:s11+s4] =	stream.linear.scatter [tilespmem:s15], [sflag:$0x2], $0x2800, $0x38;
	[tilespmem:$0x18500] =	vst v63  }
0x64: {  	_ =	swait.ge [sflag:s17], $0x2800  }
0x65: {  	[sflag:s17] =	ssyncset.done $0x0  }
0x66: {  	[sflag:s17] =	ssyncadd.s32 $0xFFFFD800  }
.LBB2_8:
0x67: {  	_ =	sfence.sel $0x180000  }
0x68: {  	[bflag:$0x0] =	sbarrier.arrive $0xFFFF  }
0x69: {  	p0 =	sne.s32 s1, $0x0;
	_ =	strace $0x90000047  }
0x6a: {  	s0 =	sadd.s32 @!p0 $0x100000, s0;
	[bflag:$0x2] =	sbarrier.arrive $0xFFFF  }
0x6b: {  	[sflag:s0] =	ssyncadd.tile.s32 @!p0 $0x1;
	_ =	shalt  }
.Lfunc_end2:
_tile_overlayer_lowered:
.L_overlay_start_2:
0x6c: {  	(tag) =	ssettag $0x2  }
0x6d: {  	s0 =	rddreg [dreg:$0x0];
	s2 =	stileid.u32  }
0x6e: {  	s1 =	rddreg [dreg:$0x1];
	p0 =	sne.s32 s2, $0x0  }
0x6f: {  	s3 =	rddreg [dreg:$0x2];
	[bflag:$0x3] =	sbarrier.arrive $0xFFFF;
	s2 =	simm.s32 @!p0 $0x1C02  }
0x70: {  	[timem:s3], [sflag:s2] =	dma.local @!p0 [hbm:s0], s1  }
0x71: {  	s0 =	simm.s32 @!p0 $0x2  }
0x72: {  	_ =	swait.ge @!p0 [sflag:s0], s1  }
0x73: {  	s1 =	ssub.s32 @!p0 $0x0, s1;
	[sflag:s0] =	ssyncset.done @!p0 $0x0  }
0x74: {  	[sflag:s0] =	ssyncadd.s32 @!p0 s1  }
0x75: {  	[bflag:$0x3] =	sbarrier.arrive $0xFFFF  }
0x76: {  	_ =	shalt  }

</sc_bundles>
